<compile_context>
chip_gen: v7x
topology: tpu7x:2x2x1
jax: 0.10.2.dev20260603
libtpu: 0.0.44.dev20260713+nightly
codegen_flags: <defaults>
</compile_context>

<pallas_src>
import functools

import jax
import jax.numpy as jnp
from jax import lax
from jax.experimental import pallas as pl
from jax.experimental.pallas import tpu as pltpu
from jax.experimental.pallas import tpu_sc as plsc

_L = 16


def _sc_log(x):
    bits = lax.bitcast_convert_type(x, jnp.int32)
    e = ((bits >> 23) & 0xFF) - 127
    mant = (bits & 0x7FFFFF) | 0x3F800000
    mf = lax.bitcast_convert_type(mant, jnp.float32)
    big = mf > 1.4142135381698608
    mf = jnp.where(big, mf * 0.5, mf)
    ef = (e + big.astype(jnp.int32)).astype(jnp.float32)
    t = (mf - 1.0) / (mf + 1.0)
    t2 = t * t
    p = 1.0 + t2 * (1.0 / 3.0 + t2 * (0.2 + t2 * (1.0 / 7.0 + t2 * (1.0 / 9.0))))
    return ef * 0.6931471805599453 + 2.0 * t * p


def _lane_allreduce(vec, tmp_ref, op):
    iota = lax.iota(jnp.int32, _L)
    for sh in (8, 4, 2, 1):
        tmp_ref[...] = vec
        other = plsc.load_gather(tmp_ref, [jnp.bitwise_xor(iota, sh)])
        vec = op(vec, other)
    return vec


def _make_sc_kernel(B, S, V):
    mesh = plsc.VectorSubcoreMesh(core_axis_name="c", subcore_axis_name="s", num_cores=1)

    @functools.partial(
        pl.kernel,
        mesh=mesh,
        compiler_params=pltpu.CompilerParams(needs_layout_passes=False),
        out_type=(
            jax.ShapeDtypeStruct((B, _L), jnp.float32),
            jax.ShapeDtypeStruct((_L,), jnp.float32),
        ),
        scratch_types=[
            pltpu.VMEM((B, V), jnp.float32),
            pltpu.VMEM((B,), jnp.int32),
            pltpu.VMEM((B, S), jnp.float32),
            pltpu.VMEM((_L,), jnp.float32),
            pltpu.VMEM((B, _L), jnp.float32),
            pltpu.SemaphoreType.DMA,
        ],
    )
    def body(wl_hbm, lab_hbm, mask_hbm, stage_hbm, out_hbm,
             blk_v, lab_v, mask_v, loss_v, all_v, dma_sem):
        cid = lax.axis_index("c")
        sid = lax.axis_index("s")
        active = jnp.logical_and(cid == 0, sid < B)
        n_full = V // _L
        tail_n = V - n_full * _L
        tail_at = V - _L

        @pl.when(active)
        def _compute():
            cp = pltpu.async_copy(wl_hbm, blk_v, dma_sem)
            pltpu.sync_copy(lab_hbm, lab_v)
            pltpu.sync_copy(mask_hbm, mask_v)
            cp.wait()
            iota = lax.iota(jnp.int32, _L)

            def max_body(j, acc):
                return jnp.maximum(acc, blk_v[sid, pl.ds(pl.multiple_of(j * _L, 8), _L)])

            m_vec = lax.fori_loop(0, n_full, max_body,
                                  jnp.full((_L,), -3.4e38, jnp.float32),
                                  unroll=8)
            m_vec = jnp.maximum(m_vec, blk_v[sid, pl.ds(tail_at, _L)])
            mb = _lane_allreduce(m_vec, loss_v, jnp.maximum)

            def sum_body(j, acc):
                return acc + jnp.exp(blk_v[sid, pl.ds(pl.multiple_of(j * _L, 8), _L)] - mb)

            s_vec = lax.fori_loop(0, n_full, sum_body, jnp.zeros((_L,), jnp.float32),
                                  unroll=8)
            tail_e = jnp.exp(blk_v[sid, pl.ds(tail_at, _L)] - mb)
            s_vec = s_vec + jnp.where(iota >= _L - tail_n, tail_e, 0.0)
            sb = _lane_allreduce(s_vec, loss_v, jnp.add)
            lse = mb + _sc_log(sb)

            widv = jnp.full((_L,), sid, jnp.int32)
            labv = plsc.load_gather(lab_v, [widv])
            x_lab = plsc.load_gather(blk_v, [widv, labv])
            mval = plsc.load_gather(mask_v, [widv, jnp.zeros((_L,), jnp.int32)])
            loss_v[...] = (lse - x_lab) * mval
            pltpu.sync_copy(loss_v, stage_hbm.at[sid])

        plsc.subcore_barrier()

        @pl.when(jnp.logical_and(cid == 0, sid == 0))
        def _reduce():
            pltpu.sync_copy(stage_hbm, all_v)
            acc = jnp.zeros((_L,), jnp.float32)
            for r in range(B):
                acc = acc + all_v[r]
            loss_v[...] = acc * (1.0 / B)
            pltpu.sync_copy(loss_v, out_hbm)

    return body


def kernel(word_logits, word_labels, segment_masks, phoneme_nums, segment_nums):
    B, S, V = word_logits.shape
    x0 = word_logits[:, 0, :]
    _, out = _make_sc_kernel(B, S, V)(x0, word_labels, segment_masks)
    return out[0]

# --- scband reference (transcript-rebuilt; emitter-appended) ---
"""Pipeline reference for scband-segment-mutual-information-loss-72481868087475 (READ-ONLY COPY).

The authoritative reference and input builder live on the scoring server;
editing this copy changes nothing except your own understanding.
"""

import jax, jax.numpy as jnp
import numpy as np


def get_span_id(begin, end):
    return int(end * (end + 1) // 2 + end - begin)


def compute_loss(word_logits, label, mask, seg_num, phn_num, seg_num_static, phn_num_static):
    # word_logits: (num_segments, num_words); label, seg_num, phn_num: traced int32 scalars
    log_probs = jax.nn.log_softmax(word_logits, axis=-1)[:, label]
    I_SY_X = jnp.log(jnp.zeros((phn_num_static + 1, seg_num_static + 1), dtype=word_logits.dtype))
    I_SY_X = I_SY_X.at[0, 0].set(0.0)
    for i in range(1, phn_num_static + 1):
        for end in range(i, seg_num_static + 1):
            span_ids = np.array([get_span_id(b, end - 1) for b in range(end)], dtype=np.int32)
            term = (I_SY_X[i - 1, :end] + log_probs[span_ids]) * mask[span_ids]
            I_SY_X = I_SY_X.at[i, end].set(term.sum())
    return -I_SY_X[phn_num, seg_num]


def setup_inputs(seed: int = 0):
    key = jax.random.key(seed)
    k1, k2, k3 = jax.random.split(key, 3)
    B, S, V = 8, 820, 5000  # S = 40*41/2 spans for max_length=40
    word_logits = jax.random.normal(k1, (B, S, V), dtype=jnp.float32)
    word_labels = jax.random.randint(k2, (B,), 0, V, dtype=jnp.int32)
    segment_masks = jax.random.uniform(k3, (B, S), dtype=jnp.float32)
    phoneme_nums = jnp.ones((B,), dtype=jnp.int32)
    segment_nums = jnp.ones((B,), dtype=jnp.int32)
    return {"word_logits": word_logits, "word_labels": word_labels, "segment_masks": segment_masks, "phoneme_nums": phoneme_nums, "segment_nums": segment_nums}


def reference(word_logits, word_labels, segment_masks, phoneme_nums, segment_nums):
    bsz = word_logits.shape[0]
    losses = [
        compute_loss(
            word_logits[i],
            word_labels[i],
            segment_masks[i],
            segment_nums[i],
            phoneme_nums[i],
            1,
            1,
        )
        for i in range(bsz)
    ]
    return jnp.mean(jnp.stack(losses))

if __name__ == "__main__":
    import jax
    _d = setup_inputs()
    print(jax.jit(kernel)(*tuple(_d.values())))

</pallas_src>

<mosaic_0001>
#map = affine_map<(d0, d1) -> (0, 0)>
#map1 = affine_map<(d0, d1) -> (0)>
module attributes {stable_mosaic.version = 14 : i64} {
  func.func @body(%arg0: i32, %arg1: i32, %arg2: memref<8x5000xf32, #tpu.memory_space<hbm>>, %arg3: memref<8xi32, #tpu.memory_space<hbm>>, %arg4: memref<8x820xf32, #tpu.memory_space<hbm>>, %arg5: memref<8x16xf32, #tpu.memory_space<hbm>>, %arg6: memref<16xf32, #tpu.memory_space<hbm>>, %arg7: memref<8x5000xf32, #tpu.memory_space<vmem>>, %arg8: memref<8xi32, #tpu.memory_space<vmem>>, %arg9: memref<8x820xf32, #tpu.memory_space<vmem>>, %arg10: memref<16xf32, #tpu.memory_space<vmem>>, %arg11: memref<8x16xf32, #tpu.memory_space<vmem>>, %arg12: memref<!tpu.dma_semaphore, #tpu.memory_space<semaphore_mem>>) attributes {dimension_semantics = [#tpu.dimension_semantics<core_parallel>, #tpu.dimension_semantics<subcore_parallel>], iteration_bounds = array<i64: 1, 16>, scalar_prefetch = 0 : i64, scratch_operands = 6 : i64, tpu.core_type = #tpu.core_type<sc_vector_subcore>, window_params = [{transform_indices = #map}, {transform_indices = #map1}, {transform_indices = #map}, {transform_indices = #map}, {transform_indices = #map1}]} {
    %eq3A = arith.constant 0 : i32
    %eq3A_0 = arith.cmpi eq, %arg0, %eq3A : i32
    %lt3A = arith.constant 8 : i32
    %lt3A_1 = arith.cmpi slt, %arg1, %lt3A : i32
    %and3A = arith.andi %eq3A_0, %lt3A_1 : i1
    %convert_element_type3A = arith.extui %and3A : i1 to i32
    %cond3A = arith.constant 0 : i32
    %cond3A_2 = arith.cmpi ne, %convert_element_type3A, %cond3A : i32
    scf.if %cond3A_2 {
      tpu.enqueue_dma source(%arg2 : memref<8x5000xf32, #tpu.memory_space<hbm>>) target(%arg7 : memref<8x5000xf32, #tpu.memory_space<vmem>>) target_semaphore(%arg12 : memref<!tpu.dma_semaphore, #tpu.memory_space<semaphore_mem>>)
      "tpu.region"() ({
        %run_scoped3A = tpu.sem_alloc : memref<!tpu.dma_semaphore, #tpu.memory_space<semaphore_mem>>
        tpu.enqueue_dma source(%arg3 : memref<8xi32, #tpu.memory_space<hbm>>) target(%arg8 : memref<8xi32, #tpu.memory_space<vmem>>) target_semaphore(%run_scoped3A : memref<!tpu.dma_semaphore, #tpu.memory_space<semaphore_mem>>)
        tpu.wait_dma2 semaphore(%run_scoped3A : memref<!tpu.dma_semaphore, #tpu.memory_space<semaphore_mem>>) src(%arg3 : memref<8xi32, #tpu.memory_space<hbm>>) dst(%arg8 : memref<8xi32, #tpu.memory_space<vmem>>)
        tpu.yield
      }) : () -> ()
      "tpu.region"() ({
        %run_scoped3A = tpu.sem_alloc : memref<!tpu.dma_semaphore, #tpu.memory_space<semaphore_mem>>
        tpu.enqueue_dma source(%arg4 : memref<8x820xf32, #tpu.memory_space<hbm>>) target(%arg9 : memref<8x820xf32, #tpu.memory_space<vmem>>) target_semaphore(%run_scoped3A : memref<!tpu.dma_semaphore, #tpu.memory_space<semaphore_mem>>)
        tpu.wait_dma2 semaphore(%run_scoped3A : memref<!tpu.dma_semaphore, #tpu.memory_space<semaphore_mem>>) src(%arg4 : memref<8x820xf32, #tpu.memory_space<hbm>>) dst(%arg9 : memref<8x820xf32, #tpu.memory_space<vmem>>)
        tpu.yield
      }) : () -> ()
      tpu.wait_dma2 semaphore(%arg12 : memref<!tpu.dma_semaphore, #tpu.memory_space<semaphore_mem>>) src(%arg2 : memref<8x5000xf32, #tpu.memory_space<hbm>>) dst(%arg7 : memref<8x5000xf32, #tpu.memory_space<vmem>>)
      %iota3A = tpu.iota {dimensions = array<i32: 0>} : vector<16xi32>
      %broadcast_in_dim3A = arith.constant -3.400000e+38 : f32
      %broadcast_in_dim3A_11 = vector.broadcast %broadcast_in_dim3A : f32 to vector<16xf32>
      %scan3A = arith.constant 0 : i32
      %scan3A_12 = arith.constant 312 : i32
      %scan3A_13 = arith.addi %scan3A, %scan3A_12 : i32
      %scan3A_14 = arith.constant 8 : i32
      %scan3A_15 = scf.for %scan3A_154 = %scan3A to %scan3A_13 step %scan3A_14 iter_args(%scan3A_155 = %broadcast_in_dim3A_11) -> (vector<16xf32>)  : i32 {
        %mul3A_156 = arith.constant 16 : i32
        %mul3A_157 = arith.muli %scan3A_154, %mul3A_156 : i32
        %multiple_of3A = tpu.assume_multiple %mul3A_157, 8 : i32
        %get3A_158 = arith.index_cast %arg1 : i32 to index
        %get3A_159 = arith.index_cast %multiple_of3A : i32 to index
        %get3A_160 = tpu.vector_load %arg7[%get3A_158, %get3A_159] {strides = array<i32>} : memref<8x5000xf32, #tpu.memory_space<vmem>>, vector<16xf32>,
        %max3A_161 = arith.maximumf %scan3A_155, %get3A_160 : vector<16xf32>
        %scan3A_162 = arith.constant 1 : i32
        %scan3A_163 = arith.addi %scan3A_154, %scan3A_162 : i32
        %mul3A_164 = arith.constant 16 : i32
        %mul3A_165 = arith.muli %scan3A_163, %mul3A_164 : i32
        %multiple_of3A_166 = tpu.assume_multiple %mul3A_165, 8 : i32
        %get3A_167 = arith.index_cast %arg1 : i32 to index
        %get3A_168 = arith.index_cast %multiple_of3A_166 : i32 to index
        %get3A_169 = tpu.vector_load %arg7[%get3A_167, %get3A_168] {strides = array<i32>} : memref<8x5000xf32, #tpu.memory_space<vmem>>, vector<16xf32>,
        %max3A_170 = arith.maximumf %max3A_161, %get3A_169 : vector<16xf32>
        %scan3A_171 = arith.constant 2 : i32
        %scan3A_172 = arith.addi %scan3A_154, %scan3A_171 : i32
        %mul3A_173 = arith.constant 16 : i32
        %mul3A_174 = arith.muli %scan3A_172, %mul3A_173 : i32
        %multiple_of3A_175 = tpu.assume_multiple %mul3A_174, 8 : i32
        %get3A_176 = arith.index_cast %arg1 : i32 to index
        %get3A_177 = arith.index_cast %multiple_of3A_175 : i32 to index
        %get3A_178 = tpu.vector_load %arg7[%get3A_176, %get3A_177] {strides = array<i32>} : memref<8x5000xf32, #tpu.memory_space<vmem>>, vector<16xf32>,
        %max3A_179 = arith.maximumf %max3A_170, %get3A_178 : vector<16xf32>
        %scan3A_180 = arith.constant 3 : i32
        %scan3A_181 = arith.addi %scan3A_154, %scan3A_180 : i32
        %mul3A_182 = arith.constant 16 : i32
        %mul3A_183 = arith.muli %scan3A_181, %mul3A_182 : i32
        %multiple_of3A_184 = tpu.assume_multiple %mul3A_183, 8 : i32
        %get3A_185 = arith.index_cast %arg1 : i32 to index
        %get3A_186 = arith.index_cast %multiple_of3A_184 : i32 to index
        %get3A_187 = tpu.vector_load %arg7[%get3A_185, %get3A_186] {strides = array<i32>} : memref<8x5000xf32, #tpu.memory_space<vmem>>, vector<16xf32>,
        %max3A_188 = arith.maximumf %max3A_179, %get3A_187 : vector<16xf32>
        %scan3A_189 = arith.constant 4 : i32
        %scan3A_190 = arith.addi %scan3A_154, %scan3A_189 : i32
        %mul3A_191 = arith.constant 16 : i32
        %mul3A_192 = arith.muli %scan3A_190, %mul3A_191 : i32
        %multiple_of3A_193 = tpu.assume_multiple %mul3A_192, 8 : i32
        %get3A_194 = arith.index_cast %arg1 : i32 to index
        %get3A_195 = arith.index_cast %multiple_of3A_193 : i32 to index
        %get3A_196 = tpu.vector_load %arg7[%get3A_194, %get3A_195] {strides = array<i32>} : memref<8x5000xf32, #tpu.memory_space<vmem>>, vector<16xf32>,
        %max3A_197 = arith.maximumf %max3A_188, %get3A_196 : vector<16xf32>
        %scan3A_198 = arith.constant 5 : i32
        %scan3A_199 = arith.addi %scan3A_154, %scan3A_198 : i32
        %mul3A_200 = arith.constant 16 : i32
        %mul3A_201 = arith.muli %scan3A_199, %mul3A_200 : i32
        %multiple_of3A_202 = tpu.assume_multiple %mul3A_201, 8 : i32
        %get3A_203 = arith.index_cast %arg1 : i32 to index
        %get3A_204 = arith.index_cast %multiple_of3A_202 : i32 to index
        %get3A_205 = tpu.vector_load %arg7[%get3A_203, %get3A_204] {strides = array<i32>} : memref<8x5000xf32, #tpu.memory_space<vmem>>, vector<16xf32>,
        %max3A_206 = arith.maximumf %max3A_197, %get3A_205 : vector<16xf32>
        %scan3A_207 = arith.constant 6 : i32
        %scan3A_208 = arith.addi %scan3A_154, %scan3A_207 : i32
        %mul3A_209 = arith.constant 16 : i32
        %mul3A_210 = arith.muli %scan3A_208, %mul3A_209 : i32
        %multiple_of3A_211 = tpu.assume_multiple %mul3A_210, 8 : i32
        %get3A_212 = arith.index_cast %arg1 : i32 to index
        %get3A_213 = arith.index_cast %multiple_of3A_211 : i32 to index
        %get3A_214 = tpu.vector_load %arg7[%get3A_212, %get3A_213] {strides = array<i32>} : memref<8x5000xf32, #tpu.memory_space<vmem>>, vector<16xf32>,
        %max3A_215 = arith.maximumf %max3A_206, %get3A_214 : vector<16xf32>
        %scan3A_216 = arith.constant 7 : i32
        %scan3A_217 = arith.addi %scan3A_154, %scan3A_216 : i32
        %mul3A_218 = arith.constant 16 : i32
        %mul3A_219 = arith.muli %scan3A_217, %mul3A_218 : i32
        %multiple_of3A_220 = tpu.assume_multiple %mul3A_219, 8 : i32
        %get3A_221 = arith.index_cast %arg1 : i32 to index
        %get3A_222 = arith.index_cast %multiple_of3A_220 : i32 to index
        %get3A_223 = tpu.vector_load %arg7[%get3A_221, %get3A_222] {strides = array<i32>} : memref<8x5000xf32, #tpu.memory_space<vmem>>, vector<16xf32>,
        %max3A_224 = arith.maximumf %max3A_215, %get3A_223 : vector<16xf32>
        scf.yield %max3A_224 : vector<16xf32>
      }
      %scan3A_16 = arith.constant 312 : i32
      %get3A = arith.index_cast %arg1 : i32 to index
      %get3A_17 = arith.constant 4984 : index
      %get3A_18 = tpu.vector_load %arg7[%get3A, %get3A_17] {strides = array<i32>} : memref<8x5000xf32, #tpu.memory_space<vmem>>, vector<16xf32>,
      %max3A = arith.maximumf %scan3A_15, %get3A_18 : vector<16xf32>
      %iota3A_19 = tpu.iota {dimensions = array<i32: 0>} : vector<16xi32>
      %swap3A = arith.constant 0 : index
      %swap3A_20 = tpu.vector_load %arg10[%swap3A] {strides = array<i32>} : memref<16xf32, #tpu.memory_space<vmem>>, vector<16xf32>,
      tpu.vector_store %arg10[%swap3A], %max3A {strides = array<i32>} : memref<16xf32, #tpu.memory_space<vmem>>, vector<16xf32>,
      %xor3A = arith.constant 8 : i32
      %xor3A_21 = vector.broadcast %xor3A : i32 to vector<16xi32>
      %xor3A_22 = arith.xori %iota3A_19, %xor3A_21 : vector<16xi32>
      %gather3A = tpu.vector_load_idx %arg10[%xor3A_22] : memref<16xf32, #tpu.memory_space<vmem>>[vector<16xi32>], vector<16xf32>,
      %max3A_23 = arith.maximumf %max3A, %gather3A : vector<16xf32>
      %swap3A_24 = arith.constant 0 : index
      %swap3A_25 = tpu.vector_load %arg10[%swap3A_24] {strides = array<i32>} : memref<16xf32, #tpu.memory_space<vmem>>, vector<16xf32>,
      tpu.vector_store %arg10[%swap3A_24], %max3A_23 {strides = array<i32>} : memref<16xf32, #tpu.memory_space<vmem>>, vector<16xf32>,
      %xor3A_26 = arith.constant 4 : i32
      %xor3A_27 = vector.broadcast %xor3A_26 : i32 to vector<16xi32>
      %xor3A_28 = arith.xori %iota3A_19, %xor3A_27 : vector<16xi32>
      %gather3A_29 = tpu.vector_load_idx %arg10[%xor3A_28] : memref<16xf32, #tpu.memory_space<vmem>>[vector<16xi32>], vector<16xf32>,
      %max3A_30 = arith.maximumf %max3A_23, %gather3A_29 : vector<16xf32>
      %swap3A_31 = arith.constant 0 : index
      %swap3A_32 = tpu.vector_load %arg10[%swap3A_31] {strides = array<i32>} : memref<16xf32, #tpu.memory_space<vmem>>, vector<16xf32>,
      tpu.vector_store %arg10[%swap3A_31], %max3A_30 {strides = array<i32>} : memref<16xf32, #tpu.memory_space<vmem>>, vector<16xf32>,
      %xor3A_33 = arith.constant 2 : i32
      %xor3A_34 = vector.broadcast %xor3A_33 : i32 to vector<16xi32>
      %xor3A_35 = arith.xori %iota3A_19, %xor3A_34 : vector<16xi32>
      %gather3A_36 = tpu.vector_load_idx %arg10[%xor3A_35] : memref<16xf32, #tpu.memory_space<vmem>>[vector<16xi32>], vector<16xf32>,
      %max3A_37 = arith.maximumf %max3A_30, %gather3A_36 : vector<16xf32>
      %swap3A_38 = arith.constant 0 : index
      %swap3A_39 = tpu.vector_load %arg10[%swap3A_38] {strides = array<i32>} : memref<16xf32, #tpu.memory_space<vmem>>, vector<16xf32>,
      tpu.vector_store %arg10[%swap3A_38], %max3A_37 {strides = array<i32>} : memref<16xf32, #tpu.memory_space<vmem>>, vector<16xf32>,
      %xor3A_40 = arith.constant 1 : i32
      %xor3A_41 = vector.broadcast %xor3A_40 : i32 to vector<16xi32>
      %xor3A_42 = arith.xori %iota3A_19, %xor3A_41 : vector<16xi32>
      %gather3A_43 = tpu.vector_load_idx %arg10[%xor3A_42] : memref<16xf32, #tpu.memory_space<vmem>>[vector<16xi32>], vector<16xf32>,
      %max3A_44 = arith.maximumf %max3A_37, %gather3A_43 : vector<16xf32>
      %broadcast_in_dim3A_45 = arith.constant 0.000000e+00 : f32
      %broadcast_in_dim3A_46 = vector.broadcast %broadcast_in_dim3A_45 : f32 to vector<16xf32>
      %scan3A_47 = arith.constant 0 : i32
      %scan3A_48 = arith.constant 312 : i32
      %scan3A_49 = arith.addi %scan3A_47, %scan3A_48 : i32
      %scan3A_50 = arith.constant 8 : i32
      %scan3A_51 = scf.for %scan3A_154 = %scan3A_47 to %scan3A_49 step %scan3A_50 iter_args(%scan3A_155 = %broadcast_in_dim3A_46) -> (vector<16xf32>)  : i32 {
        %mul3A_156 = arith.constant 16 : i32
        %mul3A_157 = arith.muli %scan3A_154, %mul3A_156 : i32
        %multiple_of3A = tpu.assume_multiple %mul3A_157, 8 : i32
        %get3A_158 = arith.index_cast %arg1 : i32 to index
        %get3A_159 = arith.index_cast %multiple_of3A : i32 to index
        %get3A_160 = tpu.vector_load %arg7[%get3A_158, %get3A_159] {strides = array<i32>} : memref<8x5000xf32, #tpu.memory_space<vmem>>, vector<16xf32>,
        %sub3A_161 = arith.subf %get3A_160, %max3A_44 : vector<16xf32>
        %exp3A_162 = math.exp %sub3A_161 : vector<16xf32>
        %add3A_163 = arith.addf %scan3A_155, %exp3A_162 : vector<16xf32>
        %scan3A_164 = arith.constant 1 : i32
        %scan3A_165 = arith.addi %scan3A_154, %scan3A_164 : i32
        %mul3A_166 = arith.constant 16 : i32
        %mul3A_167 = arith.muli %scan3A_165, %mul3A_166 : i32
        %multiple_of3A_168 = tpu.assume_multiple %mul3A_167, 8 : i32
        %get3A_169 = arith.index_cast %arg1 : i32 to index
        %get3A_170 = arith.index_cast %multiple_of3A_168 : i32 to index
        %get3A_171 = tpu.vector_load %arg7[%get3A_169, %get3A_170] {strides = array<i32>} : memref<8x5000xf32, #tpu.memory_space<vmem>>, vector<16xf32>,
        %sub3A_172 = arith.subf %get3A_171, %max3A_44 : vector<16xf32>
        %exp3A_173 = math.exp %sub3A_172 : vector<16xf32>
        %add3A_174 = arith.addf %add3A_163, %exp3A_173 : vector<16xf32>
        %scan3A_175 = arith.constant 2 : i32
        %scan3A_176 = arith.addi %scan3A_154, %scan3A_175 : i32
        %mul3A_177 = arith.constant 16 : i32
        %mul3A_178 = arith.muli %scan3A_176, %mul3A_177 : i32
        %multiple_of3A_179 = tpu.assume_multiple %mul3A_178, 8 : i32
        %get3A_180 = arith.index_cast %arg1 : i32 to index
        %get3A_181 = arith.index_cast %multiple_of3A_179 : i32 to index
        %get3A_182 = tpu.vector_load %arg7[%get3A_180, %get3A_181] {strides = array<i32>} : memref<8x5000xf32, #tpu.memory_space<vmem>>, vector<16xf32>,
        %sub3A_183 = arith.subf %get3A_182, %max3A_44 : vector<16xf32>
        %exp3A_184 = math.exp %sub3A_183 : vector<16xf32>
        %add3A_185 = arith.addf %add3A_174, %exp3A_184 : vector<16xf32>
        %scan3A_186 = arith.constant 3 : i32
        %scan3A_187 = arith.addi %scan3A_154, %scan3A_186 : i32
        %mul3A_188 = arith.constant 16 : i32
        %mul3A_189 = arith.muli %scan3A_187, %mul3A_188 : i32
        %multiple_of3A_190 = tpu.assume_multiple %mul3A_189, 8 : i32
        %get3A_191 = arith.index_cast %arg1 : i32 to index
        %get3A_192 = arith.index_cast %multiple_of3A_190 : i32 to index
        %get3A_193 = tpu.vector_load %arg7[%get3A_191, %get3A_192] {strides = array<i32>} : memref<8x5000xf32, #tpu.memory_space<vmem>>, vector<16xf32>,
        %sub3A_194 = arith.subf %get3A_193, %max3A_44 : vector<16xf32>
        %exp3A_195 = math.exp %sub3A_194 : vector<16xf32>
        %add3A_196 = arith.addf %add3A_185, %exp3A_195 : vector<16xf32>
        %scan3A_197 = arith.constant 4 : i32
        %scan3A_198 = arith.addi %scan3A_154, %scan3A_197 : i32
        %mul3A_199 = arith.constant 16 : i32
        %mul3A_200 = arith.muli %scan3A_198, %mul3A_199 : i32
        %multiple_of3A_201 = tpu.assume_multiple %mul3A_200, 8 : i32
        %get3A_202 = arith.index_cast %arg1 : i32 to index
        %get3A_203 = arith.index_cast %multiple_of3A_201 : i32 to index
        %get3A_204 = tpu.vector_load %arg7[%get3A_202, %get3A_203] {strides = array<i32>} : memref<8x5000xf32, #tpu.memory_space<vmem>>, vector<16xf32>,
        %sub3A_205 = arith.subf %get3A_204, %max3A_44 : vector<16xf32>
        %exp3A_206 = math.exp %sub3A_205 : vector<16xf32>
        %add3A_207 = arith.addf %add3A_196, %exp3A_206 : vector<16xf32>
        %scan3A_208 = arith.constant 5 : i32
        %scan3A_209 = arith.addi %scan3A_154, %scan3A_208 : i32
        %mul3A_210 = arith.constant 16 : i32
        %mul3A_211 = arith.muli %scan3A_209, %mul3A_210 : i32
        %multiple_of3A_212 = tpu.assume_multiple %mul3A_211, 8 : i32
        %get3A_213 = arith.index_cast %arg1 : i32 to index
        %get3A_214 = arith.index_cast %multiple_of3A_212 : i32 to index
        %get3A_215 = tpu.vector_load %arg7[%get3A_213, %get3A_214] {strides = array<i32>} : memref<8x5000xf32, #tpu.memory_space<vmem>>, vector<16xf32>,
        %sub3A_216 = arith.subf %get3A_215, %max3A_44 : vector<16xf32>
        %exp3A_217 = math.exp %sub3A_216 : vector<16xf32>
        %add3A_218 = arith.addf %add3A_207, %exp3A_217 : vector<16xf32>
        %scan3A_219 = arith.constant 6 : i32
        %scan3A_220 = arith.addi %scan3A_154, %scan3A_219 : i32
        %mul3A_221 = arith.constant 16 : i32
        %mul3A_222 = arith.muli %scan3A_220, %mul3A_221 : i32
        %multiple_of3A_223 = tpu.assume_multiple %mul3A_222, 8 : i32
        %get3A_224 = arith.index_cast %arg1 : i32 to index
        %get3A_225 = arith.index_cast %multiple_of3A_223 : i32 to index
        %get3A_226 = tpu.vector_load %arg7[%get3A_224, %get3A_225] {strides = array<i32>} : memref<8x5000xf32, #tpu.memory_space<vmem>>, vector<16xf32>,
        %sub3A_227 = arith.subf %get3A_226, %max3A_44 : vector<16xf32>
        %exp3A_228 = math.exp %sub3A_227 : vector<16xf32>
        %add3A_229 = arith.addf %add3A_218, %exp3A_228 : vector<16xf32>
        %scan3A_230 = arith.constant 7 : i32
        %scan3A_231 = arith.addi %scan3A_154, %scan3A_230 : i32
        %mul3A_232 = arith.constant 16 : i32
        %mul3A_233 = arith.muli %scan3A_231, %mul3A_232 : i32
        %multiple_of3A_234 = tpu.assume_multiple %mul3A_233, 8 : i32
        %get3A_235 = arith.index_cast %arg1 : i32 to index
        %get3A_236 = arith.index_cast %multiple_of3A_234 : i32 to index
        %get3A_237 = tpu.vector_load %arg7[%get3A_235, %get3A_236] {strides = array<i32>} : memref<8x5000xf32, #tpu.memory_space<vmem>>, vector<16xf32>,
        %sub3A_238 = arith.subf %get3A_237, %max3A_44 : vector<16xf32>
        %exp3A_239 = math.exp %sub3A_238 : vector<16xf32>
        %add3A_240 = arith.addf %add3A_229, %exp3A_239 : vector<16xf32>
        scf.yield %add3A_240 : vector<16xf32>
      }
      %scan3A_52 = arith.constant 312 : i32
      %get3A_53 = arith.index_cast %arg1 : i32 to index
      %get3A_54 = arith.constant 4984 : index
      %get3A_55 = tpu.vector_load %arg7[%get3A_53, %get3A_54] {strides = array<i32>} : memref<8x5000xf32, #tpu.memory_space<vmem>>, vector<16xf32>,
      %sub3A = arith.subf %get3A_55, %max3A_44 : vector<16xf32>
      %exp3A = math.exp %sub3A : vector<16xf32>
      %ge3A = arith.constant 8 : i32
      %ge3A_56 = vector.broadcast %ge3A : i32 to vector<16xi32>
      %ge3A_57 = arith.cmpi sge, %iota3A, %ge3A_56 : vector<16xi32>
      %jit3A = arith.constant 0.000000e+00 : f32
      %broadcast_in_dim3A_58 = vector.broadcast %jit3A : f32 to vector<16xf32>
      %select_n3A = arith.select %ge3A_57, %exp3A, %broadcast_in_dim3A_58 : vector<16xi1>, vector<16xf32>
      %add3A = arith.addf %scan3A_51, %select_n3A : vector<16xf32>
      %iota3A_59 = tpu.iota {dimensions = array<i32: 0>} : vector<16xi32>
      %swap3A_60 = arith.constant 0 : index
      %swap3A_61 = tpu.vector_load %arg10[%swap3A_60] {strides = array<i32>} : memref<16xf32, #tpu.memory_space<vmem>>, vector<16xf32>,
      tpu.vector_store %arg10[%swap3A_60], %add3A {strides = array<i32>} : memref<16xf32, #tpu.memory_space<vmem>>, vector<16xf32>,
      %xor3A_62 = arith.constant 8 : i32
      %xor3A_63 = vector.broadcast %xor3A_62 : i32 to vector<16xi32>
      %xor3A_64 = arith.xori %iota3A_59, %xor3A_63 : vector<16xi32>
      %gather3A_65 = tpu.vector_load_idx %arg10[%xor3A_64] : memref<16xf32, #tpu.memory_space<vmem>>[vector<16xi32>], vector<16xf32>,
      %add3A_66 = arith.addf %add3A, %gather3A_65 : vector<16xf32>
      %swap3A_67 = arith.constant 0 : index
      %swap3A_68 = tpu.vector_load %arg10[%swap3A_67] {strides = array<i32>} : memref<16xf32, #tpu.memory_space<vmem>>, vector<16xf32>,
      tpu.vector_store %arg10[%swap3A_67], %add3A_66 {strides = array<i32>} : memref<16xf32, #tpu.memory_space<vmem>>, vector<16xf32>,
      %xor3A_69 = arith.constant 4 : i32
      %xor3A_70 = vector.broadcast %xor3A_69 : i32 to vector<16xi32>
      %xor3A_71 = arith.xori %iota3A_59, %xor3A_70 : vector<16xi32>
      %gather3A_72 = tpu.vector_load_idx %arg10[%xor3A_71] : memref<16xf32, #tpu.memory_space<vmem>>[vector<16xi32>], vector<16xf32>,
      %add3A_73 = arith.addf %add3A_66, %gather3A_72 : vector<16xf32>
      %swap3A_74 = arith.constant 0 : index
      %swap3A_75 = tpu.vector_load %arg10[%swap3A_74] {strides = array<i32>} : memref<16xf32, #tpu.memory_space<vmem>>, vector<16xf32>,
      tpu.vector_store %arg10[%swap3A_74], %add3A_73 {strides = array<i32>} : memref<16xf32, #tpu.memory_space<vmem>>, vector<16xf32>,
      %xor3A_76 = arith.constant 2 : i32
      %xor3A_77 = vector.broadcast %xor3A_76 : i32 to vector<16xi32>
      %xor3A_78 = arith.xori %iota3A_59, %xor3A_77 : vector<16xi32>
      %gather3A_79 = tpu.vector_load_idx %arg10[%xor3A_78] : memref<16xf32, #tpu.memory_space<vmem>>[vector<16xi32>], vector<16xf32>,
      %add3A_80 = arith.addf %add3A_73, %gather3A_79 : vector<16xf32>
      %swap3A_81 = arith.constant 0 : index
      %swap3A_82 = tpu.vector_load %arg10[%swap3A_81] {strides = array<i32>} : memref<16xf32, #tpu.memory_space<vmem>>, vector<16xf32>,
      tpu.vector_store %arg10[%swap3A_81], %add3A_80 {strides = array<i32>} : memref<16xf32, #tpu.memory_space<vmem>>, vector<16xf32>,
      %xor3A_83 = arith.constant 1 : i32
      %xor3A_84 = vector.broadcast %xor3A_83 : i32 to vector<16xi32>
      %xor3A_85 = arith.xori %iota3A_59, %xor3A_84 : vector<16xi32>
      %gather3A_86 = tpu.vector_load_idx %arg10[%xor3A_85] : memref<16xf32, #tpu.memory_space<vmem>>[vector<16xi32>], vector<16xf32>,
      %add3A_87 = arith.addf %add3A_80, %gather3A_86 : vector<16xf32>
      %bitcast_convert_type3A = tpu.bitcast %add3A_87 : vector<16xf32> -> vector<16xi32>
      %shift_right_arithmetic3A = arith.constant 23 : i32
      %shift_right_arithmetic3A_88 = vector.broadcast %shift_right_arithmetic3A : i32 to vector<16xi32>
      %shift_right_arithmetic3A_89 = arith.shrsi %bitcast_convert_type3A, %shift_right_arithmetic3A_88 : vector<16xi32>
      %and3A_90 = arith.constant 255 : i32
      %and3A_91 = vector.broadcast %and3A_90 : i32 to vector<16xi32>
      %and3A_92 = arith.andi %shift_right_arithmetic3A_89, %and3A_91 : vector<16xi32>
      %sub3A_93 = arith.constant 127 : i32
      %sub3A_94 = vector.broadcast %sub3A_93 : i32 to vector<16xi32>
      %sub3A_95 = arith.subi %and3A_92, %sub3A_94 : vector<16xi32>
      %and3A_96 = arith.constant 8388607 : i32
      %and3A_97 = vector.broadcast %and3A_96 : i32 to vector<16xi32>
      %and3A_98 = arith.andi %bitcast_convert_type3A, %and3A_97 : vector<16xi32>
      %or3A = arith.constant 1065353216 : i32
      %or3A_99 = vector.broadcast %or3A : i32 to vector<16xi32>
      %or3A_100 = arith.ori %and3A_98, %or3A_99 : vector<16xi32>
      %bitcast_convert_type3A_101 = tpu.bitcast %or3A_100 : vector<16xi32> -> vector<16xf32>
      %gt3A = arith.constant 1.41421354 : f32
      %gt3A_102 = vector.broadcast %gt3A : f32 to vector<16xf32>
      %gt3A_103 = arith.cmpf ogt, %bitcast_convert_type3A_101, %gt3A_102 : vector<16xf32>
      %mul3A = arith.constant 5.000000e-01 : f32
      %mul3A_104 = vector.broadcast %mul3A : f32 to vector<16xf32>
      %mul3A_105 = arith.mulf %bitcast_convert_type3A_101, %mul3A_104 : vector<16xf32>
      %select_n3A_106 = arith.select %gt3A_103, %mul3A_105, %bitcast_convert_type3A_101 : vector<16xi1>, vector<16xf32>
      %convert_element_type3A_107 = arith.extui %gt3A_103 : vector<16xi1> to vector<16xi32>
      %add3A_108 = arith.addi %sub3A_95, %convert_element_type3A_107 : vector<16xi32>
      %convert_element_type3A_109 = arith.sitofp %add3A_108 : vector<16xi32> to vector<16xf32>
      %sub3A_110 = arith.constant 1.000000e+00 : f32
      %sub3A_111 = vector.broadcast %sub3A_110 : f32 to vector<16xf32>
      %sub3A_112 = arith.subf %select_n3A_106, %sub3A_111 : vector<16xf32>
      %add3A_113 = arith.constant 1.000000e+00 : f32
      %add3A_114 = vector.broadcast %add3A_113 : f32 to vector<16xf32>
      %add3A_115 = arith.addf %select_n3A_106, %add3A_114 : vector<16xf32>
      %div3A = arith.divf %sub3A_112, %add3A_115 : vector<16xf32>
      %mul3A_116 = arith.mulf %div3A, %div3A : vector<16xf32>
      %mul3A_117 = arith.constant 0.111111112 : f32
      %mul3A_118 = vector.broadcast %mul3A_117 : f32 to vector<16xf32>
      %mul3A_119 = arith.mulf %mul3A_116, %mul3A_118 : vector<16xf32>
      %add3A_120 = arith.constant 0.142857149 : f32
      %add3A_121 = vector.broadcast %add3A_120 : f32 to vector<16xf32>
      %add3A_122 = arith.addf %add3A_121, %mul3A_119 : vector<16xf32>
      %mul3A_123 = arith.mulf %mul3A_116, %add3A_122 : vector<16xf32>
      %add3A_124 = arith.constant 2.000000e-01 : f32
      %add3A_125 = vector.broadcast %add3A_124 : f32 to vector<16xf32>
      %add3A_126 = arith.addf %add3A_125, %mul3A_123 : vector<16xf32>
      %mul3A_127 = arith.mulf %mul3A_116, %add3A_126 : vector<16xf32>
      %add3A_128 = arith.constant 0.333333343 : f32
      %add3A_129 = vector.broadcast %add3A_128 : f32 to vector<16xf32>
      %add3A_130 = arith.addf %add3A_129, %mul3A_127 : vector<16xf32>
      %mul3A_131 = arith.mulf %mul3A_116, %add3A_130 : vector<16xf32>
      %add3A_132 = arith.constant 1.000000e+00 : f32
      %add3A_133 = vector.broadcast %add3A_132 : f32 to vector<16xf32>
      %add3A_134 = arith.addf %add3A_133, %mul3A_131 : vector<16xf32>
      %mul3A_135 = arith.constant 0.693147182 : f32
      %mul3A_136 = vector.broadcast %mul3A_135 : f32 to vector<16xf32>
      %mul3A_137 = arith.mulf %convert_element_type3A_109, %mul3A_136 : vector<16xf32>
      %mul3A_138 = arith.constant 2.000000e+00 : f32
      %mul3A_139 = vector.broadcast %mul3A_138 : f32 to vector<16xf32>
      %mul3A_140 = arith.mulf %mul3A_139, %div3A : vector<16xf32>
      %mul3A_141 = arith.mulf %mul3A_140, %add3A_134 : vector<16xf32>
      %add3A_142 = arith.addf %mul3A_137, %mul3A_141 : vector<16xf32>
      %add3A_143 = arith.addf %max3A_44, %add3A_142 : vector<16xf32>
      %broadcast_in_dim3A_144 = vector.broadcast %arg1 : i32 to vector<16xi32>
      %gather3A_145 = tpu.vector_load_idx %arg8[%broadcast_in_dim3A_144] : memref<8xi32, #tpu.memory_space<vmem>>[vector<16xi32>], vector<16xi32>,
      %gather3A_146 = tpu.vector_load_idx %arg7[%broadcast_in_dim3A_144, %gather3A_145] : memref<8x5000xf32, #tpu.memory_space<vmem>>[vector<16xi32>, vector<16xi32>], vector<16xf32>,
      %broadcast_in_dim3A_147 = arith.constant 0 : i32
      %broadcast_in_dim3A_148 = vector.broadcast %broadcast_in_dim3A_147 : i32 to vector<16xi32>
      %gather3A_149 = tpu.vector_load_idx %arg9[%broadcast_in_dim3A_144, %broadcast_in_dim3A_148] : memref<8x820xf32, #tpu.memory_space<vmem>>[vector<16xi32>, vector<16xi32>], vector<16xf32>,
      %sub3A_150 = arith.subf %add3A_143, %gather3A_146 : vector<16xf32>
      %mul3A_151 = arith.mulf %sub3A_150, %gather3A_149 : vector<16xf32>
      %swap3A_152 = arith.constant 0 : index
      %swap3A_153 = tpu.vector_load %arg10[%swap3A_152] {strides = array<i32>} : memref<16xf32, #tpu.memory_space<vmem>>, vector<16xf32>,
      tpu.vector_store %arg10[%swap3A_152], %mul3A_151 {strides = array<i32>} : memref<16xf32, #tpu.memory_space<vmem>>, vector<16xf32>,
      "tpu.region"() ({
        %run_scoped3A = tpu.sem_alloc : memref<!tpu.dma_semaphore, #tpu.memory_space<semaphore_mem>>
        %dma_start3A = arith.constant 0 : i32
        %dma_start3A_154 = tpu.memref_slice %arg5[%arg1, %dma_start3A] : memref<8x16xf32, #tpu.memory_space<hbm>> -> memref<1x16xf32, #tpu.memory_space<hbm>>
        %dma_start3A_155 = tpu.memref_squeeze %dma_start3A_154 : memref<1x16xf32, #tpu.memory_space<hbm>> -> memref<16xf32, #tpu.memory_space<hbm>>
        %dma_start3A_156 = arith.constant 0 : i32
        %dma_start3A_157 = tpu.memref_slice %arg5[%arg1, %dma_start3A_156] : memref<8x16xf32, #tpu.memory_space<hbm>> -> memref<1x16xf32, #tpu.memory_space<hbm>>
        %dma_start3A_158 = tpu.memref_squeeze %dma_start3A_157 : memref<1x16xf32, #tpu.memory_space<hbm>> -> memref<16xf32, #tpu.memory_space<hbm>>
        tpu.enqueue_dma source(%arg10 : memref<16xf32, #tpu.memory_space<vmem>>) target(%dma_start3A_158 : memref<16xf32, #tpu.memory_space<hbm>>) target_semaphore(%run_scoped3A : memref<!tpu.dma_semaphore, #tpu.memory_space<semaphore_mem>>)
        %dma_wait3A = arith.constant 0 : i32
        %dma_wait3A_159 = tpu.memref_slice %arg5[%arg1, %dma_wait3A] : memref<8x16xf32, #tpu.memory_space<hbm>> -> memref<1x16xf32, #tpu.memory_space<hbm>>
        %dma_wait3A_160 = tpu.memref_squeeze %dma_wait3A_159 : memref<1x16xf32, #tpu.memory_space<hbm>> -> memref<16xf32, #tpu.memory_space<hbm>>
        %dma_wait3A_161 = arith.constant 0 : i32
        %dma_wait3A_162 = tpu.memref_slice %arg5[%arg1, %dma_wait3A_161] : memref<8x16xf32, #tpu.memory_space<hbm>> -> memref<1x16xf32, #tpu.memory_space<hbm>>
        %dma_wait3A_163 = tpu.memref_squeeze %dma_wait3A_162 : memref<1x16xf32, #tpu.memory_space<hbm>> -> memref<16xf32, #tpu.memory_space<hbm>>
        tpu.wait_dma2 semaphore(%run_scoped3A : memref<!tpu.dma_semaphore, #tpu.memory_space<semaphore_mem>>) src(%arg10 : memref<16xf32, #tpu.memory_space<vmem>>) dst(%dma_wait3A_163 : memref<16xf32, #tpu.memory_space<hbm>>)
        tpu.yield
      }) : () -> ()
    } else {
    }
    %barrier3A = arith.constant 0 : index
    tpu.barrier barrier_id(%barrier3A)
    %eq3A_3 = arith.constant 0 : i32
    %eq3A_4 = arith.cmpi eq, %arg0, %eq3A_3 : i32
    %eq3A_5 = arith.constant 0 : i32
    %eq3A_6 = arith.cmpi eq, %arg1, %eq3A_5 : i32
    %and3A_7 = arith.andi %eq3A_4, %eq3A_6 : i1
    %convert_element_type3A_8 = arith.extui %and3A_7 : i1 to i32
    %cond3A_9 = arith.constant 0 : i32
    %cond3A_10 = arith.cmpi ne, %convert_element_type3A_8, %cond3A_9 : i32
    scf.if %cond3A_10 {
      "tpu.region"() ({
        %run_scoped3A = tpu.sem_alloc : memref<!tpu.dma_semaphore, #tpu.memory_space<semaphore_mem>>
        tpu.enqueue_dma source(%arg5 : memref<8x16xf32, #tpu.memory_space<hbm>>) target(%arg11 : memref<8x16xf32, #tpu.memory_space<vmem>>) target_semaphore(%run_scoped3A : memref<!tpu.dma_semaphore, #tpu.memory_space<semaphore_mem>>)
        tpu.wait_dma2 semaphore(%run_scoped3A : memref<!tpu.dma_semaphore, #tpu.memory_space<semaphore_mem>>) src(%arg5 : memref<8x16xf32, #tpu.memory_space<hbm>>) dst(%arg11 : memref<8x16xf32, #tpu.memory_space<vmem>>)
        tpu.yield
      }) : () -> ()
      %broadcast_in_dim3A = arith.constant 0.000000e+00 : f32
      %broadcast_in_dim3A_11 = vector.broadcast %broadcast_in_dim3A : f32 to vector<16xf32>
      %get3A = arith.constant 0 : i32
      %get3A_12 = arith.index_cast %get3A : i32 to index
      %get3A_13 = arith.constant 0 : index
      %get3A_14 = tpu.vector_load %arg11[%get3A_12, %get3A_13] {strides = array<i32>} : memref<8x16xf32, #tpu.memory_space<vmem>>, vector<16xf32>,
      %add3A = arith.addf %broadcast_in_dim3A_11, %get3A_14 : vector<16xf32>
      %get3A_15 = arith.constant 1 : i32
      %get3A_16 = arith.index_cast %get3A_15 : i32 to index
      %get3A_17 = arith.constant 0 : index
      %get3A_18 = tpu.vector_load %arg11[%get3A_16, %get3A_17] {strides = array<i32>} : memref<8x16xf32, #tpu.memory_space<vmem>>, vector<16xf32>,
      %add3A_19 = arith.addf %add3A, %get3A_18 : vector<16xf32>
      %get3A_20 = arith.constant 2 : i32
      %get3A_21 = arith.index_cast %get3A_20 : i32 to index
      %get3A_22 = arith.constant 0 : index
      %get3A_23 = tpu.vector_load %arg11[%get3A_21, %get3A_22] {strides = array<i32>} : memref<8x16xf32, #tpu.memory_space<vmem>>, vector<16xf32>,
      %add3A_24 = arith.addf %add3A_19, %get3A_23 : vector<16xf32>
      %get3A_25 = arith.constant 3 : i32
      %get3A_26 = arith.index_cast %get3A_25 : i32 to index
      %get3A_27 = arith.constant 0 : index
      %get3A_28 = tpu.vector_load %arg11[%get3A_26, %get3A_27] {strides = array<i32>} : memref<8x16xf32, #tpu.memory_space<vmem>>, vector<16xf32>,
      %add3A_29 = arith.addf %add3A_24, %get3A_28 : vector<16xf32>
      %get3A_30 = arith.constant 4 : i32
      %get3A_31 = arith.index_cast %get3A_30 : i32 to index
      %get3A_32 = arith.constant 0 : index
      %get3A_33 = tpu.vector_load %arg11[%get3A_31, %get3A_32] {strides = array<i32>} : memref<8x16xf32, #tpu.memory_space<vmem>>, vector<16xf32>,
      %add3A_34 = arith.addf %add3A_29, %get3A_33 : vector<16xf32>
      %get3A_35 = arith.constant 5 : i32
      %get3A_36 = arith.index_cast %get3A_35 : i32 to index
      %get3A_37 = arith.constant 0 : index
      %get3A_38 = tpu.vector_load %arg11[%get3A_36, %get3A_37] {strides = array<i32>} : memref<8x16xf32, #tpu.memory_space<vmem>>, vector<16xf32>,
      %add3A_39 = arith.addf %add3A_34, %get3A_38 : vector<16xf32>
      %get3A_40 = arith.constant 6 : i32
      %get3A_41 = arith.index_cast %get3A_40 : i32 to index
      %get3A_42 = arith.constant 0 : index
      %get3A_43 = tpu.vector_load %arg11[%get3A_41, %get3A_42] {strides = array<i32>} : memref<8x16xf32, #tpu.memory_space<vmem>>, vector<16xf32>,
      %add3A_44 = arith.addf %add3A_39, %get3A_43 : vector<16xf32>
      %get3A_45 = arith.constant 7 : i32
      %get3A_46 = arith.index_cast %get3A_45 : i32 to index
      %get3A_47 = arith.constant 0 : index
      %get3A_48 = tpu.vector_load %arg11[%get3A_46, %get3A_47] {strides = array<i32>} : memref<8x16xf32, #tpu.memory_space<vmem>>, vector<16xf32>,
      %add3A_49 = arith.addf %add3A_44, %get3A_48 : vector<16xf32>
      %mul3A = arith.constant 1.250000e-01 : f32
      %mul3A_50 = vector.broadcast %mul3A : f32 to vector<16xf32>
      %mul3A_51 = arith.mulf %add3A_49, %mul3A_50 : vector<16xf32>
      %swap3A = arith.constant 0 : index
      %swap3A_52 = tpu.vector_load %arg10[%swap3A] {strides = array<i32>} : memref<16xf32, #tpu.memory_space<vmem>>, vector<16xf32>,
      tpu.vector_store %arg10[%swap3A], %mul3A_51 {strides = array<i32>} : memref<16xf32, #tpu.memory_space<vmem>>, vector<16xf32>,
      "tpu.region"() ({
        %run_scoped3A = tpu.sem_alloc : memref<!tpu.dma_semaphore, #tpu.memory_space<semaphore_mem>>
        tpu.enqueue_dma source(%arg10 : memref<16xf32, #tpu.memory_space<vmem>>) target(%arg6 : memref<16xf32, #tpu.memory_space<hbm>>) target_semaphore(%run_scoped3A : memref<!tpu.dma_semaphore, #tpu.memory_space<semaphore_mem>>)
        tpu.wait_dma2 semaphore(%run_scoped3A : memref<!tpu.dma_semaphore, #tpu.memory_space<semaphore_mem>>) src(%arg10 : memref<16xf32, #tpu.memory_space<vmem>>) dst(%arg6 : memref<16xf32, #tpu.memory_space<hbm>>)
        tpu.yield
      }) : () -> ()
    } else {
    }
    return
  }
}

</mosaic_0001>

<sc_bundles>
// kernel: kernel.3.cloned.1.call-start
scs
__scs_entry_jumppad:
0x0: {  	(pc) =	sbr.rel $0x88, $3  }
0x1: {  	(tag) =	ssettag $0x0;
	lr =	simm.s32 $0x1  }
0x2: {  	[smem:$0x3F9E] =	sst lr;
	_ =	strace $0xD0000000  }
0x3: {  	_ = 	snop  }
0x4: {  	_ = 	snop  }
0x5: {  	_ = 	snop  }
0x6: {  	_ = 	snop  }
0x7: {  	_ = 	snop  }
__scs_overlays_trampoline_lowered:
0x8: {  	[smem:$0x3FAD] =	sst s0  }
0x9: {  	[smem:$0x3FAE] =	sst s1  }
0xa: {  	[smem:$0x3FAF] =	sst s2  }
0xb: {  	[smem:$0x3FB0] =	sst s3  }
0xc: {  	[smem:$0x3FB1] =	sst s4  }
0xd: {  	[smem:$0x3FB2] =	sst s5  }
0xe: {  	[smem:$0x3FB3] =	sst s6  }
0xf: {  	[smem:$0x3FB4] =	sst s7  }
0x10: {  	[smem:$0x3FB5] =	sst s8  }
0x11: {  	[smem:$0x3FB6] =	sst s9;
	s0 =	simm.s32 @!p0 $0x0  }
0x12: {  	s1 =	sld [smem:$0x3F9C];
	s0 =	simm.s32 @p0 $0x1  }
0x13: {  	[smem:$0x3FB7] =	sst s0;
	s0 =	simm.s32 @!p1 $0x0  }
0x14: {  	s2 =	sld [smem:$0x3F9B];
	s0 =	simm.s32 @p1 $0x1  }
0x15: {  	[smem:$0x3FB8] =	sst s0;
	s0 =	simm.s32 @!p2 $0x0  }
0x16: {  	s3 =	sld [smem:$0x3FDB];
	s0 =	simm.s32 @p2 $0x1  }
0x17: {  	s4 =	simm.s32 $0x1BF5;
	[smem:$0x3FBA] =	sst s0  }
0x18: {  	s0 =	sld [smem:$0x3F9D];
	_ =	swait.ge [sflag:s4], $0x0  }
0x19: {  	s7 =	sld [smem:$0x3F9E]  }
0x1a: {  	s8 =	sadd.s32 $0xFFFFE003, lr  }
0x1b: {  	s9 =	sadd.s32 $0xFFFFFEF7, lr;
	s5 =	simm.s32 $0xFFFFFFFF;
	p2 =	slt.u32 s8, $0xFFFFF086  }
0x1c: {  	p1 =	slt.u32 s9, $0xF7A;
	s5 =	simm.s32 @!p2 $0x0  }
0x1d: {  	s5 =	simm.s32 @p1 $0x1;
	p0 =	seq.s32 s7, s2  }
0x1e: {  	s7 =	smul.u32 @!p0 $0xF7A, s2;
	p2 =	seq.s32 @!p0 s5, $0x0  }
0x1f: {  	s9 =	smul.u32 $0xF7A, s1;
	s8 =	simm.s32 @!p0 $0x1BF5;
	p2 =	por !p2, p0  }
0x20: {  	[sflag:s8] =	ssyncset.s32 @!p0 $0xFFFFF086;
	s6 =	sadd.s32 @!p0 s3, s7;
	s7 =	simm.s32 @!p0 $0x108  }
0x21: {  	s3 =	sadd.s32 s3, s9;
	s6 =	sadd.s32 @!p0 $0x88, s6;
	s7 =	simm.s32 @p2 $0x1082  }
0x22: {  	[simem:s7], [sflag:s8] =	dma.local @!p0 [hbm:s6], $0xF7A  }
0x23: {  	s9 =	sor.u32 $0xD0000000, s2;
	s6 =	simm.s32 $0x108;
	_ =	swait.ge @!p0 [sflag:s8], $0x0  }
0x24: {  	s3 =	sadd.s32 $0x88, s3;
	s6 =	simm.s32 @!p1 $0x1082;
	[sflag:s4] =	ssyncset.s32 $0xFFFFF086  }
0x25: {  	[simem:s6], [sflag:s4] =	dma.local [hbm:s3], $0xF7A  }
0x26: {  	[smem:$0x3F9E] =	sst s1;
	(tag) =	ssettag s2;
	_ =	strace s9  }
0x27: {  	s1 =	sld [smem:$0x3FAE]  }
0x28: {  	s2 =	sld [smem:$0x3FAF]  }
0x29: {  	s4 =	sld [smem:$0x3FB1]  }
0x2a: {  	p0 =	seq.s32 s5, $0x0;
	s5 =	sld [smem:$0x3FB2]  }
0x2b: {  	s6 =	sld [smem:$0x3FB3]  }
0x2c: {  	s7 =	sld [smem:$0x3FB4]  }
0x2d: {  	s3 =	simm.s32 $0x108;
	s8 =	sld [smem:$0x3FB5]  }
0x2e: {  	s3 =	simm.s32 @!p0 $0x1082;
	s9 =	sld [smem:$0x3FB6]  }
0x2f: {  	lr =	sadd.s32 s0, s3;
	s0 =	sld [smem:$0x3FAD]  }
0x30: {  	s3 =	sld [smem:$0x3FB0]  }
0x31: {  	[smem:$0x3FB9] =	sst s10  }
0x32: {  	s10 =	sld [smem:$0x3FB7];
	_ =	sdelay $0x3  }
0x33: {  	p0 =	seq.s32 s10, $0x1;
	s10 =	sld [smem:$0x3FB9];
	_ =	sdelay $0x3  }
0x34: {  	[smem:$0x3FB9] =	sst s10  }
0x35: {  	s10 =	sld [smem:$0x3FB8];
	_ =	sdelay $0x3  }
0x36: {  	p1 =	seq.s32 s10, $0x1;
	s10 =	sld [smem:$0x3FB9];
	_ =	sdelay $0x3  }
0x37: {  	[smem:$0x3FB9] =	sst s10  }
0x38: {  	s10 =	sld [smem:$0x3FBA]  }
0x39: {  	_ = 	snop;
	(pc) =	sbr.ind lr, $3  }
0x3a: {  	_ = 	snop  }
0x3b: {  	_ = 	snop  }
0x3c: {  	p2 =	seq.s32 s10, $0x1;
	s10 =	sld [smem:$0x3FB9]  }
0x3d: {  	_ =	shalt  }
0x3e: {  	_ =	shalt  }
0x3f: {  	_ =	shalt  }
0x40: {  	_ =	shalt  }
0x41: {  	_ =	shalt  }
0x42: {  	_ =	shalt  }
0x43: {  	_ =	shalt  }
0x44: {  	_ =	shalt  }
0x45: {  	_ =	shalt  }
0x46: {  	_ =	shalt  }
0x47: {  	_ =	shalt  }
0x48: {  	_ =	shalt  }
0x49: {  	_ =	shalt  }
0x4a: {  	_ =	shalt  }
0x4b: {  	_ =	shalt  }
0x4c: {  	_ =	shalt  }
0x4d: {  	_ =	shalt  }
0x4e: {  	_ =	shalt  }
0x4f: {  	_ =	shalt  }
0x50: {  	_ =	shalt  }
0x51: {  	_ =	shalt  }
0x52: {  	_ =	shalt  }
0x53: {  	_ =	shalt  }
0x54: {  	_ =	shalt  }
0x55: {  	_ =	shalt  }
0x56: {  	_ =	shalt  }
0x57: {  	_ =	shalt  }
0x58: {  	_ =	shalt  }
0x59: {  	_ =	shalt  }
0x5a: {  	_ =	shalt  }
0x5b: {  	_ =	shalt  }
0x5c: {  	_ =	shalt  }
0x5d: {  	_ =	shalt  }
0x5e: {  	_ =	shalt  }
0x5f: {  	_ =	shalt  }
0x60: {  	_ =	shalt  }
0x61: {  	_ =	shalt  }
0x62: {  	_ =	shalt  }
0x63: {  	_ =	shalt  }
0x64: {  	_ =	shalt  }
0x65: {  	_ =	shalt  }
0x66: {  	_ =	shalt  }
0x67: {  	_ =	shalt  }
0x68: {  	_ =	shalt  }
0x69: {  	_ =	shalt  }
0x6a: {  	_ =	shalt  }
0x6b: {  	_ =	shalt  }
0x6c: {  	_ =	shalt  }
0x6d: {  	_ =	shalt  }
0x6e: {  	_ =	shalt  }
0x6f: {  	_ =	shalt  }
0x70: {  	_ =	shalt  }
0x71: {  	_ =	shalt  }
0x72: {  	_ =	shalt  }
0x73: {  	_ =	shalt  }
0x74: {  	_ =	shalt  }
0x75: {  	_ =	shalt  }
0x76: {  	_ =	shalt  }
0x77: {  	_ =	shalt  }
0x78: {  	_ =	shalt  }
0x79: {  	_ =	shalt  }
0x7a: {  	_ =	shalt  }
0x7b: {  	_ =	shalt  }
0x7c: {  	_ =	shalt  }
0x7d: {  	_ =	shalt  }
0x7e: {  	_ =	shalt  }
0x7f: {  	_ =	shalt  }
0x80: {  	_ =	shalt  }
0x81: {  	_ =	shalt  }
0x82: {  	_ =	shalt  }
0x83: {  	_ =	shalt  }
0x84: {  	_ =	shalt  }
0x85: {  	_ =	shalt  }
0x86: {  	_ =	shalt  }
0x87: {  	_ =	shalt  }
.Lfunc_end0:
.L_simem_size_0:
called_computation_lowered:
.L_overlay_start_0:
0x88: {  	s0 =	sld [smem:$0x3FD9]  }
0x89: {  	s1 =	sld [smem:$0x3FFE];
	_ =	sdelay $0x3  }
0x8a: {  	s0 =	sadd.s32 s1, s0  }
0x8b: {  	[smem:$0x3FC5] =	sst s0  }
0x8c: {  	_ = 	snop  }
0x8d: {  	s0 =	sld [smem:$0x3FC8]  }
0x8e: {  	s16 =	sld [smem:$0x3FC7]  }
0x8f: {  	s2 =	sld [smem:$0x3FD0];
	(tm) =	ssettm $0x1  }
0x90: {  	s3 =	sld [smem:$0x3FFB];
	_ =	sdelay $0x3  }
0x91: {  	_ =	strace s3  }
0x92: {  	s3 =	sld [smem:$0x3FFC];
	_ =	sdelay $0x3  }
0x93: {  	_ =	strace s3  }
0x94: {  	s3 =	sld [smem:$0x3FFD];
	_ =	sdelay $0x3  }
0x95: {  	_ =	strace s3  }
0x96: {  	_ =	strace $0x8FFFFFFF  }
0x97: {  	s17 =	sld [smem:$0x3FDB];
	_ =	sdelay $0x1  }
0x98: {  	s4 =	simm.s32 $_scs_section_size  }
0x99: {  	s5 =	simm.s32 $_size__tile_overlayer_lowered;
	s6 =	simm.s32 $_tile_overlayer_lowered  }
0x9a: {  	s20 =	simm.s32 $0x1BFF;
	s19 =	sshll.u32 s6, $0x1;
	s3 =	sadd.s32 s4, s17  }
0x9b: {  	s7 =	simm.s32 $0x0;
	s18 =	sshll.u32 s5, $0x1;
	s5 =	sadd.s32 s19, s3  }
0x9c: {  	[timem:s7], [sflag:s20] =	dma.local [hbm:s5], s18  }
0x9d: {  	_ =	swait.ge [sflag:s20], s18  }
0x9e: {  	s4 =	ssub.s32 $0x0, s18;
	[sflag:s20] =	ssyncset.done $0x0  }
0x9f: {  	[sflag:s20] =	ssyncadd.s32 s4;
	_ =	sdelay $0x1  }
0xa0: {  	s21 =	simm.s32 $0x1B8B  }
0xa1: {  	_ =	swait.ge [sflag:s21], $0x1  }
0xa2: {  	[sflag:s21] =	ssyncset.done $0x0  }
0xa3: {  	s23 =	simm.s32 $0x1B8E;
	s22 =	sld [smem:$0x3FFE];
	[sflag:s21] =	ssyncadd.s32 $0xFFFFFFFF  }
0xa4: {  	s24 =	simm.s32 $execute0_lowered;
	[smem:$0x3FD2] =	sst s23  }
0xa5: {  	s5 =	sshll.u32 s24, $0x1;
	_ =	strace $0x80000046;
	[dreg:$0x1] =	wrdreg $0xFFFFFFFF  }
0xa6: {  	s25 =	simm.s32 $_size_execute0_lowered;
	s3 =	sadd.s32 s3, s5;
	[dreg:$0x0] =	wrdreg $0x0  }
0xa7: {  	s5 =	sshll.u32 s25, $0x1;
	[dreg:$0x2] =	wrdreg s3  }
0xa8: {  	[dreg:$0x3] =	wrdreg s5  }
0xa9: {  	[dreg:$0x4] =	wrdreg $0xC0  }
0xaa: {  	_ =	task [dreg:s7], $0x5FFFF  }
0xab: {  	[dreg:$0x1] =	wrdreg $0xFFFFFFFF  }
0xac: {  	[dreg:$0x0] =	wrdreg $0x60  }
0xad: {  	[dreg:$0x2] =	wrdreg s22  }
0xae: {  	[dreg:$0x3] =	wrdreg s0  }
0xaf: {  	[dreg:$0x4] =	wrdreg s16  }
0xb0: {  	[dreg:$0x5] =	wrdreg s2  }
0xb1: {  	[dreg:$0x6] =	wrdreg $0x9  }
0xb2: {  	_ =	task.clear_ibuf [dreg:s7], $0x7FFFF;
	_ =	strace $0x90000046  }
0xb3: {  	s26 =	simm.s32 $0x9;
	_ =	strace $0x80000048  }
0xb4: {  	_ =	swait.ge [sflag:s26], $0x1  }
0xb5: {  	[sflag:s26] =	ssyncadd.s32 $0xFFFFFFFF  }
0xb6: {  	_ =	strace $0x90000048  }
0xb7: {  	_ =	sfence  }
0xb8: {  	s28 =	sld [smem:$0x0];
	_ =	sdelay $0x1  }
0xb9: {  	s29 =	srdreg.scid  }
0xba: {  	s30 =	sshll.u32 s29, $0xD;
	s31 =	sshrl.u32 s29, $0x2  }
0xbb: {  	s1 =	sand.u32 $0x1, s29;
	s2 =	sand.u32 $0x4000, s30;
	s0 =	sadd.s32 s31, s28  }
0xbc: {  	s1 =	sor.u32 s2, s1;
	s0 =	sshll.u32 s0, $0x11  }
0xbd: {  	s0 =	sor.u32 s0, s1  }
0xbe: {  	s0 =	sadd.s32 $0x8F2B, s0  }
0xbf: {  	[sflag:s0] =	ssyncadd.remote.s32 $0x1  }
0xc0: {  	_ =	sfence.sel $0xFFFF  }
0xc1: {  	[dreg:$0x0] =	wrdreg $0xFFFFFFFF;
	(pc) =	sbr.abs _section_cstart, $3  }
0xc2: {  	[dreg:$0x1] =	wrdreg $0xFFFFFFFF  }
0xc3: {  	_ =	task.clear_ibuf [dreg:s7], $0x2FFFF;
	_ =	strace $0x9FFFFFFF  }
0xc4: {  	(tm) =	ssettm $0x7FFFFFFF  }
0xc5: {  	_ =	shalt  }
tec
execute0_lowered:
.L_overlay_start_1:
0x0: {  	(tag) =	ssettag $0x1  }
0x1: {  	s1 =	stileid.u32  }
0x2: {  	s3 =	rddreg [dreg:$0x0];
	p0 =	slt.u32 s1, $0x8  }
.Ltmp0:
0x3: {  	s6 =	rddreg [dreg:$0x1];
	(pc) =	sbr.rel @!p0 .LBB2_1-.Ltmp0, $4  }
0x4: {  	s4 =	rddreg [dreg:$0x2]  }
0x5: {  	s2 =	rddreg [dreg:$0x3];
	s5 =	simm.s32 $0x0  }
0x6: {  	[smem:$0x7FF] =	sst s5  }
0x7: {  	s0 =	rddreg [dreg:$0x4];
	_ =	strace $0x80000047  }
0x8: {  	s7 =	sadd.s32 $0x800, s3  }
0x9: {  	[tilespmem:s5], [sflag:$0x1] =	stream.linear.gather [hbm4b:s7+s5], $0xA000, $0x38;
	[tilespmem:$0xC100] =	vst v63  }
0xa: {  	s25 =	simm.s32 $0xA000;
	s26 =	simm.s32 $0x2  }
0xb: {  	[tilespmem:s25], [sflag:$0x2] =	stream.linear.gather [hbm4b:s6+s5], $0x80, $0x38;
	[tilespmem:$0xC100] =	vst v63  }
0xc: {  	_ =	swait.ge [sflag:s26], $0x80  }
0xd: {  	[sflag:s26] =	ssyncset.done $0x0  }
0xe: {  	s28 =	simm.s32 $0xA080;
	[sflag:s26] =	ssyncadd.s32 $0xFFFFFF80  }
0xf: {  	[tilespmem:s28], [sflag:$0x2] =	stream.linear.gather [hbm4b:s4+s5], $0x1C00, $0x38;
	[tilespmem:$0xC100] =	vst v63  }
0x10: {  	_ =	swait.ge [sflag:s26], $0x1C00  }
0x11: {  	[sflag:s26] =	ssyncset.done $0x0  }
0x12: {  	s29 =	simm.s32 $0x1;
	[sflag:s26] =	ssyncadd.s32 $0xFFFFE400  }
0x13: {  	s30 =	sshll.u32 s1, $0x9;
	_ =	swait.ge [sflag:s29], $0xA000  }
0x14: {  	s5 =	sshrl.u32 s30, $0x2;
	[sflag:s29] =	ssyncset.done $0x0  }
0x15: {  	s6 =	sadd.s32 $0x40, s5;
	[sflag:s29] =	ssyncadd.s32 $0xFFFF6000  }
0x16: {  	v0 =	vld [tilespmem:s6+$0xFFFFFFC0]  }
0x17: {  	v5 =	vld [tilespmem:s6+$0xFFFFFFD0]  }
0x18: {  	v6 =	vld [tilespmem:s6+$0xFFFFFFE0]  }
0x19: {  	v4 =	vld [tilespmem:s6+$0xFFFFFFF0]  }
0x1a: {  	v1 =	vimm.f32 $-3.399999950e+38;
	v2 =	vld [tilespmem:s6+$0x0]  }
0x1b: {  	v3 =	vld [tilespmem:s6+$0x10];
	v0 =	vmax.f32 v1, v0  }
0x1c: {  	s3 =	sadd.s32 $0x1C00, s3;
	s31 =	sshll.u32 s1, $0x4;
	v1 =	vmov s1;
	v7 =	vmax.f32 v0, v5;
	v5 =	vld [tilespmem:s6+$0x20]  }
0x1d: {  	s7 =	simm.s32 $0x0;
	s4 =	sadd.s32 s3, s31;
	s8 =	sadd.s32 $0x400, s6;
	v0 =	vshll.u32 v1, $0x7;
	v7 =	vmax.f32 v7, v6;
	v6 =	vld [tilespmem:s6+$0x30]  }
.LBB2_3:
0x1e: {  	v8 =	vld [tilespmem:s8+$0xFFFFFFC0];
	s7 =	sadd.s32 $0x8, s7;
	v4 =	vmax.f32 v7, v4  }
0x1f: {  	v7 =	vld [tilespmem:s8+$0xFFFFFFD0];
	p0 =	slt.u32 s7, $0x130;
	v2 =	vmax.f32 v4, v2  }
0x20: {  	v9 =	vld [tilespmem:s8+$0xFFFFFFE0];
	v2 =	vmax.f32 v2, v3  }
.Ltmp1:
0x21: {  	v4 =	vld [tilespmem:s8+$0xFFFFFFF0];
	v3 =	vmax.f32 v2, v5;
	(pc) =	sbr.rel @p0 .LBB2_3-.Ltmp1, $4  }
0x22: {  	v2 =	vld [tilespmem:s8+$0x0];
	v3 =	vmax.f32 v3, v6  }
0x23: {  	v5 =	vmax.f32 v3, v8;
	v3 =	vld [tilespmem:s8+$0x10]  }
0x24: {  	v6 =	vmax.f32 v5, v7;
	v5 =	vld [tilespmem:s8+$0x20]  }
0x25: {  	v7 =	vmax.f32 v6, v9;
	v6 =	vld [tilespmem:s8+$0x30];
	s8 =	sadd.s32 $0x400, s8  }
0x26: {  	v8 =	vimm.s32 $0xFEDCBA98  }
0x27: {  	v9 =	vimm.s32 $0x76543210;
	v8 =	vunpack.c.l.s4.s8 v8  }
0x28: {  	v9 =	vunpack.c.l.s4.s8 v9  }
0x29: {  	v8 =	vunpack.c.0.s8.s32 v8  }
0x2a: {  	v9 =	vunpack.c.0.s8.s32 v9  }
0x2b: {  	v4 =	vmax.f32 v7, v4;
	v7 =	vld [tilespmem:s5+$0x9878];
	v8 =	vand.u32 $0xF, v8  }
0x2c: {  	v2 =	vmax.f32 v4, v2;
	v4 =	vcombine.low v8, v9  }
0x2d: {  	v2 =	vmax.f32 v2, v3;
	v3 =	vimm.s32 $0xBA98FEDC;
	v8 =	vimm.s32 $0x32107654  }
0x2e: {  	v2 =	vmax.f32 v2, v5;
	v3 =	vunpack.c.l.s4.s8 v3;
	v5 =	vunpack.c.l.s4.s8 v8  }
0x2f: {  	v2 =	vmax.f32 v2, v6  }
0x30: {  	v2 =	vmax.f32 v2, v7;
	v3 =	vunpack.c.0.s8.s32 v3;
	v5 =	vunpack.c.0.s8.s32 v5  }
0x31: {  	s7 =	simm.s32 $0xBC80;
	[tilespmem:$0xBC80] =	vst v2  }
0x32: {  	v3 =	vcombine.low v5, v3;
	v4 =	vld.idx.msk [tilespmem:v4+s7+$0x0], $0xffff;
	_ =	sdelay $0x1  }
0x33: {  	v6 =	vimm.s32 $0x54761032;
	v5 =	vimm.s32 $0xDCFE98BA;
	v3 =	vand.u32 $0xF, v3  }
0x34: {  	v6 =	vunpack.c.l.s4.s8 v6;
	v5 =	vunpack.c.l.s4.s8 v5;
	_ =	sdelay $0x1  }
0x35: {  	v2 =	vmax.f32 v2, v4;
	v4 =	vunpack.c.0.s8.s32 v5;
	v5 =	vunpack.c.0.s8.s32 v6  }
0x36: {  	[tilespmem:$0xBC80] =	vst v2  }
0x37: {  	v3 =	vld.idx.msk [tilespmem:v3+s7+$0x0], $0xffff;
	v4 =	vcombine.low v5, v4;
	_ =	sdelay $0x1  }
0x38: {  	v6 =	vimm.s32 $0x67452301;
	v5 =	vimm.s32 $0xEFCDAB89;
	v4 =	vand.u32 $0xF, v4  }
0x39: {  	v6 =	vunpack.c.l.s4.s8 v6;
	v5 =	vunpack.c.l.s4.s8 v5;
	_ =	sdelay $0x1  }
0x3a: {  	v2 =	vmax.f32 v2, v3;
	v3 =	vunpack.c.0.s8.s32 v5;
	v5 =	vunpack.c.0.s8.s32 v6  }
0x3b: {  	[tilespmem:$0xBC80] =	vst v2  }
0x3c: {  	v4 =	vld.idx.msk [tilespmem:v4+s7+$0x0], $0xffff;
	v3 =	vcombine.low v5, v3;
	_ =	sdelay $0x1  }
0x3d: {  	v3 =	vand.u32 $0xF, v3;
	_ =	sdelay $0x2  }
0x3e: {  	v2 =	vmax.f32 v2, v4  }
0x3f: {  	[tilespmem:$0xBC80] =	vst v2  }
0x40: {  	v3 =	vld.idx.msk [tilespmem:v3+s7+$0x0], $0xffff  }
0x41: {  	v4 =	vld [tilespmem:s6+$0xFFFFFFC0];
	_ =	sdelay $0x1  }
0x42: {  	v5 =	vld [tilespmem:s6+$0xFFFFFFD0];
	_ =	sdelay $0x1  }
0x43: {  	v2 =	vmax.f32 v2, v3;
	v3 =	vld [tilespmem:s6+$0xFFFFFFE0]  }
0x44: {  	v4 =	vsub.f32 v4, v2  }
0x45: {  	v6 =	vld [tilespmem:s6+$0xFFFFFFF0]  }
0x46: {  	v5 =	vsub.f32 v5, v2;
	v4 =	vmul.f32 $1.442695020e+00, v4;
	_ =	sdelay $0x1  }
0x47: {  	v7 =	vld [tilespmem:s6+$0x0];
	v5 =	vmul.f32 $1.442695020e+00, v5;
	v3 =	vsub.f32 v3, v2;
	(erf) = vpow2.f32 v4;
	_ =	sdelay $0x1  }
0x48: {  	v6 =	vsub.f32 v6, v2;
	v4 =	vld [tilespmem:s6+$0x10];
	(erf) = vpow2.f32 v5;
	v3 =	vmul.f32 $1.442695020e+00, v3  }
0x49: {  	v8 =	vld [tilespmem:s6+$0x20]  }
0x4a: {  	v6 =	vmul.f32 $1.442695020e+00, v6;
	(erf) = vpow2.f32 v3  }
0x4b: {  	v5 =	vsub.f32 v7, v2  }
0x4c: {  	(erf) = vpow2.f32 v6;
	v6 =	vld [tilespmem:s6+$0x30]  }
0x4d: {  	s31 =	sadd.s32 $0x400, s6;
	v3 =	vsub.f32 v4, v2;
	v4 =	vmul.f32 $1.442695020e+00, v5  }
0x4e: {  	v7 =	vld [tilespmem:s31+$0xFFFFFFC0];
	v5 =	vsub.f32 v8, v2  }
0x4f: {  	v9 =	vld [tilespmem:s31+$0xFFFFFFD0];
	v3 =	vmul.f32 $1.442695020e+00, v3;
	(erf) = vpow2.f32 v4;
	v4 =	vimm.f32 $0.0e+00;
	v8 =	vpop (erf)  }
0x50: {  	v4 =	vadd.f32 v8, v4  }
0x51: {  	v5 =	vmul.f32 $1.442695020e+00, v5;
	(erf) = vpow2.f32 v3;
	v3 =	vld [tilespmem:s31+$0xFFFFFFE0];
	v8 =	vpop (erf);
	v6 =	vsub.f32 v6, v2  }
0x52: {  	v4 =	vadd.f32 v8, v4  }
0x53: {  	v7 =	vsub.f32 v7, v2;
	(erf) = vpow2.f32 v5;
	v6 =	vmul.f32 $1.442695020e+00, v6;
	v8 =	vpop (erf)  }
0x54: {  	v5 =	vld [tilespmem:s31+$0xFFFFFFF0];
	v4 =	vadd.f32 v8, v4;
	v8 =	vsub.f32 v9, v2  }
0x55: {  	v10 =	vld [tilespmem:s31+$0x0];
	v7 =	vmul.f32 $1.442695020e+00, v7;
	v9 =	vpop (erf);
	(erf) = vpow2.f32 v6  }
0x56: {  	v3 =	vsub.f32 v3, v2  }
0x57: {  	v11 =	vld [tilespmem:s31+$0x10];
	(erf) = vpow2.f32 v7;
	v4 =	vadd.f32 v9, v4;
	v6 =	vmul.f32 $1.442695020e+00, v8  }
0x58: {  	v9 =	vmul.f32 $1.442695020e+00, v3;
	v8 =	vpop (erf)  }
0x59: {  	v5 =	vsub.f32 v5, v2;
	v3 =	vld [tilespmem:s31+$0x20];
	(erf) = vpow2.f32 v6;
	v8 =	vadd.f32 v8, v4  }
0x5a: {  	v6 =	vsub.f32 v10, v2;
	v10 =	vpop (erf)  }
0x5b: {  	v7 =	vmul.f32 $1.442695020e+00, v5;
	v4 =	vld [tilespmem:s31+$0x30];
	(erf) = vpow2.f32 v9;
	v8 =	vadd.f32 v10, v8  }
0x5c: {  	s7 =	sadd.s32 $0x400, s31;
	s6 =	simm.s32 $0x8;
	v5 =	vsub.f32 v11, v2;
	v9 =	vpop (erf)  }
.LBB2_5:
0x5d: {  	v10 =	vld [tilespmem:s7+$0xFFFFFFC0];
	v6 =	vmul.f32 $1.442695020e+00, v6;
	(erf) = vpow2.f32 v7;
	v11 =	vadd.f32 v9, v8  }
0x5e: {  	s6 =	sadd.s32 $0x8, s6;
	v3 =	vsub.f32 v3, v2;
	v8 =	vpop (erf)  }
0x5f: {  	p0 =	slt.u32 s6, $0x130;
	v5 =	vmul.f32 $1.442695020e+00, v5;
	v9 =	vld [tilespmem:s7+$0xFFFFFFD0];
	(erf) = vpow2.f32 v6;
	v6 =	vadd.f32 v8, v11  }
0x60: {  	v4 =	vsub.f32 v4, v2;
	v7 =	vpop (erf)  }
0x61: {  	v3 =	vmul.f32 $1.442695020e+00, v3;
	v8 =	vld [tilespmem:s7+$0xFFFFFFE0];
	v6 =	vadd.f32 v7, v6;
	(erf) = vpow2.f32 v5  }
0x62: {  	v5 =	vsub.f32 v10, v2;
	v7 =	vpop (erf)  }
0x63: {  	v4 =	vmul.f32 $1.442695020e+00, v4;
	v10 =	vld [tilespmem:s7+$0xFFFFFFF0];
	v6 =	vadd.f32 v7, v6;
	(erf) = vpow2.f32 v3  }
0x64: {  	v3 =	vsub.f32 v9, v2;
	v7 =	vpop (erf)  }
0x65: {  	v5 =	vmul.f32 $1.442695020e+00, v5;
	v9 =	vld [tilespmem:s7+$0x0];
	v12 =	vadd.f32 v7, v6;
	(erf) = vpow2.f32 v4  }
0x66: {  	v4 =	vsub.f32 v8, v2;
	v7 =	vpop (erf)  }
0x67: {  	v13 =	vmul.f32 $1.442695020e+00, v3;
	v11 =	vld [tilespmem:s7+$0x10];
	(erf) = vpow2.f32 v5;
	v5 =	vadd.f32 v7, v12  }
.Ltmp2:
0x68: {  	v7 =	vsub.f32 v10, v2;
	v6 =	vpop (erf);
	(pc) =	sbr.rel @p0 .LBB2_5-.Ltmp2, $4  }
0x69: {  	v10 =	vmul.f32 $1.442695020e+00, v4;
	v3 =	vld [tilespmem:s7+$0x20];
	(erf) = vpow2.f32 v13;
	v5 =	vadd.f32 v6, v5  }
0x6a: {  	v6 =	vsub.f32 v9, v2;
	v8 =	vpop (erf)  }
0x6b: {  	v7 =	vmul.f32 $1.442695020e+00, v7;
	v4 =	vld [tilespmem:s7+$0x30];
	(erf) = vpow2.f32 v10;
	v8 =	vadd.f32 v8, v5  }
0x6c: {  	s7 =	sadd.s32 $0x400, s7;
	v5 =	vsub.f32 v11, v2;
	v9 =	vpop (erf)  }
0x6d: {  	v6 =	vmul.f32 $1.442695020e+00, v6;
	(erf) = vpow2.f32 v7;
	v28 =	vadd.f32 v9, v8;
	v29 =	vld [tilespmem:s5+$0x9878]  }
0x6e: {  	v3 =	vsub.f32 v3, v2;
	v30 =	vpop (erf)  }
0x6f: {  	v5 =	vmul.f32 $1.442695020e+00, v5;
	(erf) = vpow2.f32 v6;
	v31 =	vadd.f32 v30, v28  }
0x70: {  	v4 =	vsub.f32 v4, v2;
	v32 =	vpop (erf)  }
0x71: {  	v3 =	vmul.f32 $1.442695020e+00, v3;
	(erf) = vpow2.f32 v5;
	v6 =	vadd.f32 v32, v31  }
0x72: {  	v33 =	vpop (erf);
	v34 =	vsub.f32 v29, v2  }
0x73: {  	v4 =	vmul.f32 $1.442695020e+00, v4;
	(erf) = vpow2.f32 v3;
	v5 =	vadd.f32 v33, v6  }
0x74: {  	v35 =	vpop (erf);
	v36 =	vmul.f32 $1.442695020e+00, v34  }
0x75: {  	(erf) = vpow2.f32 v4;
	v3 =	vadd.f32 v35, v5  }
0x76: {  	v37 =	vpop (erf);
	(erf) = vpow2.f32 v36  }
0x77: {  	v3 =	vadd.f32 v37, v3  }
0x78: {  	v39 =	vimm.s32 $0xFEDCBA98;
	v38 =	vpop (erf)  }
0x79: {  	v40 =	vimm.s32 $0x76543210;
	v5 =	vunpack.c.l.s4.s8 v39;
	v3 =	vadd.f32 v38, v3  }
0x7a: {  	v4 =	vunpack.c.l.s4.s8 v40;
	v41 =	vpop (erf)  }
0x7b: {  	v5 =	vunpack.c.0.s8.s32 v5;
	v3 =	vadd.f32 v41, v3  }
0x7c: {  	v4 =	vunpack.c.0.s8.s32 v4;
	v42 =	vpop (erf)  }
0x7d: {  	v5 =	vand.u32 $0xF, v5;
	v3 =	vadd.f32 v42, v3  }
0x7e: {  	v4 =	vcombine.low v5, v4;
	v43 =	vpop (erf)  }
0x7f: {  	vm0 =	vmmov $0xff;
	v3 =	vadd.f32 v43, v3;
	v44 =	vpop (erf)  }
0x80: {  	v45 =	vimm.s32 $0xBA98FEDC;
	v46 =	vimm.s32 $0x32107654;
	v5 =	vsel vm0, $0x0, v44  }
0x81: {  	v47 =	vunpack.c.l.s4.s8 v45;
	v48 =	vunpack.c.l.s4.s8 v46;
	v3 =	vadd.f32 v5, v3;
	_ =	sdelay $0x1  }
0x82: {  	s5 =	simm.s32 $0xBC80;
	v6 =	vunpack.c.0.s8.s32 v48;
	v5 =	vunpack.c.0.s8.s32 v47;
	[tilespmem:$0xBC80] =	vst v3  }
0x83: {  	v4 =	vld.idx.msk [tilespmem:v4+s5+$0x0], $0xffff  }
0x84: {  	v5 =	vcombine.low v6, v5;
	_ =	sdelay $0x1  }
0x85: {  	v5 =	vand.u32 $0xF, v5  }
0x86: {  	v49 =	vimm.s32 $0xDCFE98BA;
	v50 =	vimm.s32 $0x54761032  }
0x87: {  	v51 =	vunpack.c.l.s4.s8 v49;
	v52 =	vunpack.c.l.s4.s8 v50;
	v3 =	vadd.f32 v3, v4;
	_ =	sdelay $0x1  }
0x88: {  	v6 =	vunpack.c.0.s8.s32 v52;
	v4 =	vunpack.c.0.s8.s32 v51;
	[tilespmem:$0xBC80] =	vst v3  }
0x89: {  	v5 =	vld.idx.msk [tilespmem:v5+s5+$0x0], $0xffff  }
0x8a: {  	v4 =	vcombine.low v6, v4;
	_ =	sdelay $0x1  }
0x8b: {  	v4 =	vand.u32 $0xF, v4  }
0x8c: {  	v53 =	vimm.s32 $0xEFCDAB89;
	v54 =	vimm.s32 $0x67452301  }
0x8d: {  	v55 =	vunpack.c.l.s4.s8 v53;
	v56 =	vunpack.c.l.s4.s8 v54;
	v3 =	vadd.f32 v3, v5;
	_ =	sdelay $0x1  }
0x8e: {  	v6 =	vunpack.c.0.s8.s32 v56;
	v5 =	vunpack.c.0.s8.s32 v55;
	[tilespmem:$0xBC80] =	vst v3  }
0x8f: {  	v4 =	vld.idx.msk [tilespmem:v4+s5+$0x0], $0xffff  }
0x90: {  	v5 =	vcombine.low v6, v5;
	_ =	sdelay $0x1  }
0x91: {  	v5 =	vand.u32 $0xF, v5;
	_ =	sdelay $0x1  }
0x92: {  	v3 =	vadd.f32 v3, v4;
	_ =	sdelay $0x1  }
0x93: {  	[tilespmem:$0xBC80] =	vst v3  }
0x94: {  	v57 =	vld.idx.msk [tilespmem:v5+s5+$0x0], $0xffff;
	_ =	sdelay $0x4  }
0x95: {  	v3 =	vadd.f32 v57, v3;
	_ =	sdelay $0x1  }
0x96: {  	v4 =	vand.u32 $0x7FFFFF, v3  }
0x97: {  	v4 =	vor.u32 $0x3F800000, v4  }
0x98: {  	v58 =	vmul.f32 $5.000000000e-01, v4  }
0x99: {  	vm15 =	vgt.f32 v4, $1.414213540e+00  }
0x9a: {  	v4 =	vsel vm15, v58, v4  }
0x9b: {  	v5 =	vadd.f32 $1.000000000e+00, v4;
	_ =	sdelay $0x1  }
0x9c: {  	(erf) = vrcp.f32 v5;
	_ =	sdelay $0x7  }
0x9d: {  	v4 =	vadd.f32 $-1.000000000e+00, v4  }
0x9e: {  	v5 =	vpop (erf)  }
0x9f: {  	v4 =	vmul.f32 v5, v4;
	_ =	sdelay $0x1  }
0xa0: {  	v5 =	vmul.f32 v4, v4;
	_ =	sdelay $0x1  }
0xa1: {  	v59 =	vmul.f32 $1.111111120e-01, v5;
	_ =	sdelay $0x1  }
0xa2: {  	v6 =	vadd.f32 $1.428571490e-01, v59  }
0xa3: {  	s6 =	simm.s32 $0xA000  }
0xa4: {  	v1 =	vld.idx.msk [tilespmem:v1+s6+$0x0], $0xffff;
	v6 =	vmul.f32 v6, v5;
	_ =	sdelay $0x1  }
0xa5: {  	v6 =	vadd.f32 $2.000000030e-01, v6;
	_ =	sdelay $0x1  }
0xa6: {  	v6 =	vmul.f32 v6, v5  }
0xa7: {  	v60 =	vimm.s32 $0x0;
	v61 =	vshll.u32 v1, $0x3;
	v1 =	vand.u32 $0x7F, v1  }
0xa8: {  	v8 =	vand.u32 $0xFFFFFC00, v61;
	v3 =	vshrl.u32 v3, $0x17;
	v6 =	vadd.f32 $3.333333430e-01, v6  }
0xa9: {  	v1 =	vor.u32 v8, v1;
	v3 =	vand.u32 $0xFF, v3;
	v7 =	vsel vm15, $0x1, v60  }
0xaa: {  	v1 =	vor.u32 v0, v1;
	v3 =	vadd.s32 v7, v3;
	v5 =	vmul.f32 v6, v5  }
0xab: {  	v3 =	vadd.s32 $0xFFFFFF81, v3  }
0xac: {  	v3 =	vcvt.s32.f32 v3;
	v4 =	vadd.f32 v4, v4;
	v5 =	vadd.f32 $1.000000000e+00, v5;
	_ =	sdelay $0x1  }
0xad: {  	s6 =	simm.s32 $0x0;
	v3 =	vmul.f32 $6.931471820e-01, v3;
	v4 =	vmul.f32 v5, v4  }
0xae: {  	v1 =	vld.idx.msk [tilespmem:v1+s6+$0x0], $0xffff  }
0xaf: {  	s7 =	simm.s32 $0xA080;
	v3 =	vadd.f32 v4, v3  }
0xb0: {  	v62 =	vld.idx.msk [tilespmem:v0+s7+$0x0], $0xffff  }
0xb1: {  	v63 =	vadd.f32 v3, v2;
	_ =	sdelay $0x1  }
0xb2: {  	v1 =	vsub.f32 v63, v1;
	_ =	sdelay $0x1  }
0xb3: {  	v0 =	vmul.f32 v1, v62;
	_ =	sdelay $0x1  }
0xb4: {  	[tilespmem:$0xBC80] =	vst v0  }
0xb5: {  	[hbm4b:s4+s6] =	stream.linear.scatter [tilespmem:s5], [sflag:$0x2], $0x80, $0x38;
	[tilespmem:$0xC100] =	vst v63  }
0xb6: {  	s4 =	simm.s32 $0x2  }
0xb7: {  	_ =	swait.ge [sflag:s4], $0x80  }
0xb8: {  	[sflag:s4] =	ssyncset.done $0x0  }
0xb9: {  	[sflag:s4] =	ssyncadd.s32 $0xFFFFFF80  }
0xba: {  	p0 =	sne.s32 s1, $0x0;
	[bflag:$0x0] =	sbarrier.arrive $0xFFFF  }
0xbb: {  	_ =	sfence.sel @p0 $0x180000  }
0xbc: {  	[bflag:$0x0] =	sbarrier.arrive @p0 $0xFFFF  }
0xbd: {  	_ =	strace @p0 $0x90000047  }
0xbe: {  	[bflag:$0x2] =	sbarrier.arrive @p0 $0xFFFF  }
0xbf: {  	_ =	shalt @p0  }
.LBB2_7:
0xc0: {  	s7 =	simm.s32 $0xBD00  }
0xc1: {  	[tilespmem:s7], [sflag:$0x2] =	stream.linear.gather [hbm4b:s3+s6], $0x400, $0x38;
	[tilespmem:$0xC100] =	vst v63  }
0xc2: {  	_ =	swait.ge [sflag:s4], $0x400  }
0xc3: {  	[sflag:s4] =	ssyncset.done $0x0  }
0xc4: {  	[sflag:s4] =	ssyncadd.s32 $0xFFFFFC00  }
0xc5: {  	v0 =	vld [tilespmem:$0xBD00];
	_ =	sdelay $0x1  }
0xc6: {  	v1 =	vld [tilespmem:$0xBD80];
	_ =	sdelay $0x1  }
0xc7: {  	v2 =	vld [tilespmem:$0xBE00]  }
0xc8: {  	v0 =	vadd.f32 $0.0e+00, v0  }
0xc9: {  	v3 =	vld [tilespmem:$0xBE80]  }
0xca: {  	v0 =	vadd.f32 v1, v0  }
0xcb: {  	v60 =	vld [tilespmem:$0xBF00]  }
0xcc: {  	v0 =	vadd.f32 v2, v0  }
0xcd: {  	v61 =	vld [tilespmem:$0xBF80]  }
0xce: {  	v0 =	vadd.f32 v3, v0  }
0xcf: {  	v62 =	vld [tilespmem:$0xC000]  }
0xd0: {  	v0 =	vadd.f32 v60, v0  }
0xd1: {  	v63 =	vld [tilespmem:$0xC080]  }
0xd2: {  	v0 =	vadd.f32 v61, v0;
	_ =	sdelay $0x1  }
0xd3: {  	v0 =	vadd.f32 v62, v0;
	_ =	sdelay $0x1  }
0xd4: {  	v0 =	vadd.f32 v63, v0;
	_ =	sdelay $0x1  }
0xd5: {  	v0 =	vmul.f32 $1.250000000e-01, v0;
	_ =	sdelay $0x1  }
.Ltmp3:
0xd6: {  	[tilespmem:$0xBC80] =	vst v0;
	(pc) =	sbr.rel .LBB2_8-.Ltmp3, $4  }
0xd7: {  	[hbm4b:s2+s6] =	stream.linear.scatter [tilespmem:s5], [sflag:$0x2], $0x80, $0x38;
	[tilespmem:$0xC100] =	vst v63  }
0xd8: {  	_ =	swait.ge [sflag:s4], $0x80  }
0xd9: {  	[sflag:s4] =	ssyncset.done $0x0  }
0xda: {  	[sflag:s4] =	ssyncadd.s32 $0xFFFFFF80  }
.LBB2_1:
0xdb: {  	[bflag:$0x0] =	sbarrier.arrive $0xFFFF  }
.LBB2_8:
0xdc: {  	_ =	sfence.sel $0x180000  }
0xdd: {  	[bflag:$0x0] =	sbarrier.arrive $0xFFFF  }
0xde: {  	p0 =	sne.s32 s1, $0x0;
	_ =	strace $0x90000047  }
0xdf: {  	s0 =	sadd.s32 @!p0 $0x100000, s0;
	[bflag:$0x2] =	sbarrier.arrive $0xFFFF  }
0xe0: {  	[sflag:s0] =	ssyncadd.tile.s32 @!p0 $0x1;
	_ =	shalt  }
.Lfunc_end2:
_tile_overlayer_lowered:
.L_overlay_start_2:
0xe1: {  	(tag) =	ssettag $0x2  }
0xe2: {  	s0 =	rddreg [dreg:$0x0];
	s2 =	stileid.u32  }
0xe3: {  	s1 =	rddreg [dreg:$0x1];
	p0 =	sne.s32 s2, $0x0  }
0xe4: {  	s3 =	rddreg [dreg:$0x2];
	[bflag:$0x3] =	sbarrier.arrive $0xFFFF;
	s2 =	simm.s32 @!p0 $0x1C02  }
0xe5: {  	[timem:s3], [sflag:s2] =	dma.local @!p0 [hbm:s0], s1  }
0xe6: {  	s0 =	simm.s32 @!p0 $0x2  }
0xe7: {  	_ =	swait.ge @!p0 [sflag:s0], s1  }
0xe8: {  	s1 =	ssub.s32 @!p0 $0x0, s1;
	[sflag:s0] =	ssyncset.done @!p0 $0x0  }
0xe9: {  	[sflag:s0] =	ssyncadd.s32 @!p0 s1  }
0xea: {  	[bflag:$0x3] =	sbarrier.arrive $0xFFFF  }
0xeb: {  	_ =	shalt  }

</sc_bundles>
